<compile_context>
chip_gen: v7x
topology: tpu7x:2x2x1
jax: 0.10.2.dev20260603
libtpu: 0.0.44.dev20260713+nightly
codegen_flags: <defaults>
</compile_context>

<pallas_src>
import functools

import jax
import jax.numpy as jnp
from jax import lax
from jax.experimental import pallas as pl
from jax.experimental.pallas import tpu as pltpu
from jax.experimental.pallas import tpu_sc as plsc

_N_NODES = 10000
_N_EDGES = 320000
_D_FEAT = 128
_D_EDGE = 16
_D_GLOBAL = 16
_N_BATCHES = 8
_IN_DIM = _D_FEAT + _D_EDGE + _D_GLOBAL
_LATENT = 32
_OUT_DIM = 128

_NC = 2
_NS = 16

_BLK = 2048
_GRID = -(-_N_NODES // _BLK)


_HEDGES = _N_EDGES // _NC
_REDGES = 16000
_NROUND2 = _HEDGES // _REDGES
_TEDGES = _HEDGES // _NS


def _sc_scatter_mean_partials(eT, eidx, zeros_n):
    mesh = plsc.VectorSubcoreMesh(core_axis_name="c", subcore_axis_name="s")

    @functools.partial(
        pl.kernel,
        out_type=(
            jax.ShapeDtypeStruct((_NC, _NS, _N_NODES), jnp.float32),
            jax.ShapeDtypeStruct((_NC, _NS, _N_NODES), jnp.float32),
        ),
        mesh=mesh,
        scratch_types=[
            pltpu.VMEM((_N_NODES,), jnp.float32),
            pltpu.VMEM((_N_NODES,), jnp.float32),
            pltpu.VMEM((_N_NODES,), jnp.float32),
            pltpu.VMEM((_REDGES,), jnp.float32),
            pltpu.VMEM((_REDGES,), jnp.float32),
            pltpu.VMEM((_REDGES,), jnp.int32),
            pltpu.VMEM((_REDGES,), jnp.int32),
            pltpu.SemaphoreType.DMA,
            pltpu.SemaphoreType.DMA,
        ],
        compiler_params=pltpu.CompilerParams(use_tc_tiling_on_sc=False,
                                             needs_layout_passes=False),
    )
    def scatter_kernel(eT_hbm, eidx_hbm, zn_hbm, sums_hbm, cnts_hbm,
                       accA, accB, cacc, strip0, strip1, recv0, recv1,
                       sem0, sem1):
        cid = lax.axis_index("c")
        sid = lax.axis_index("s")
        e0 = cid * _HEDGES

        pltpu.sync_copy(zn_hbm, accA)
        pltpu.sync_copy(zn_hbm, accB)
        pltpu.sync_copy(zn_hbm, cacc)

        strip_b = (strip0, strip1)
        recv_b = (recv0, recv1)
        sem = (sem0, sem1)
        ones16 = jnp.ones((16,), jnp.float32)

        def gather_round(rr, s):
            off = e0 + rr * _REDGES
            g1 = pltpu.async_copy(eT_hbm.at[sid, pl.ds(off, _REDGES)],
                                  strip_b[s], sem[s])
            g2 = pltpu.async_copy(eidx_hbm.at[1, pl.ds(off, _REDGES)],
                                  recv_b[s], sem[s])
            return (g1, g2)

        def accum_round(s):
            sv = strip_b[s]
            rv = recv_b[s]

            @plsc.parallel_loop(0, _REDGES // 32, unroll=4)
            def _pairg(i):
                idxa = rv[pl.ds(32 * i, 16)]
                vala = sv[pl.ds(32 * i, 16)]
                plsc.addupdate_scatter(accA, [idxa], vala)
                idxb = rv[pl.ds(32 * i + 16, 16)]
                valb = sv[pl.ds(32 * i + 16, 16)]
                plsc.addupdate_scatter(accB, [idxb], valb)

        @pl.loop(0, _NROUND2, step=2)
        def _pair(rr):
            g0 = gather_round(rr, 0)
            g1 = gather_round(rr + 1, 1)
            for d in g0:
                d.wait()
            accum_round(0)
            for d in g1:
                d.wait()
            accum_round(1)

        dc = pltpu.async_copy(
            eidx_hbm.at[1, pl.ds(e0 + sid * _TEDGES, _TEDGES)],
            recv0.at[pl.ds(0, _TEDGES)], sem0)
        dc.wait()

        @plsc.parallel_loop(0, _TEDGES // 16)
        def _cg(i):
            idxv = recv0[pl.ds(16 * i, 16)]
            plsc.addupdate_scatter(cacc, [idxv], ones16)

        @plsc.parallel_loop(0, _N_NODES // 16)
        def _merge(i):
            sl = pl.ds(16 * i, 16)
            accA[sl] = accA[sl] + accB[sl]

        pltpu.sync_copy(accA, sums_hbm.at[cid, sid, :])
        pltpu.sync_copy(cacc, cnts_hbm.at[cid, sid, :])

    return scatter_kernel(eT, eidx, zeros_n)


def _tc_mlp_kernel(na_ref, s_ref, c_ref, g_ref, ng_ref,
                   W1_ref, b1_ref, W2_ref, b2_ref, out_ref):
    sT = s_ref[0] + s_ref[1]
    cnt = jnp.sum(c_ref[...], axis=(0, 1))
    aggT = sT / jnp.maximum(cnt, 1.0)[None, :]
    na = na_ref[...]
    ng = ng_ref[0]
    iota = lax.broadcasted_iota(jnp.int32, (_BLK, _N_BATCHES), 1)
    onehot = (ng[:, None] == iota).astype(jnp.float32)
    gW = jnp.dot(g_ref[...], W1_ref[_D_FEAT + _D_EDGE:, :],
                 preferred_element_type=jnp.float32)
    h_e = lax.dot_general(aggT, W1_ref[_D_FEAT:_D_FEAT + _D_EDGE, :],
                          ((( 0,), (0,)), ((), ())),
                          preferred_element_type=jnp.float32)
    h = (jnp.dot(na, W1_ref[:_D_FEAT, :], preferred_element_type=jnp.float32)
         + h_e
         + jnp.dot(onehot, gW, preferred_element_type=jnp.float32)
         + b1_ref[...])
    h = jnp.maximum(h, 0.0)
    out_ref[...] = jnp.dot(h, W2_ref[...],
                           preferred_element_type=jnp.float32) + b2_ref[...]


def _tc_mlp(node_attr, sums, cnts, global_attr, ng2, W1, b1r, W2, b2r):
    return pl.pallas_call(
        _tc_mlp_kernel,
        grid=(_GRID,),
        in_specs=[
            pl.BlockSpec((_BLK, _D_FEAT), lambda i: (i, 0)),
            pl.BlockSpec((_NC, _NS, _BLK), lambda i: (0, 0, i)),
            pl.BlockSpec((_NC, _NS, _BLK), lambda i: (0, 0, i)),
            pl.BlockSpec((_N_BATCHES, _D_GLOBAL), lambda i: (0, 0)),
            pl.BlockSpec((1, _BLK), lambda i: (0, i)),
            pl.BlockSpec((_IN_DIM, _LATENT), lambda i: (0, 0)),
            pl.BlockSpec((1, _LATENT), lambda i: (0, 0)),
            pl.BlockSpec((_LATENT, _OUT_DIM), lambda i: (0, 0)),
            pl.BlockSpec((1, _OUT_DIM), lambda i: (0, 0)),
        ],
        out_specs=pl.BlockSpec((_BLK, _OUT_DIM), lambda i: (i, 0)),
        out_shape=jax.ShapeDtypeStruct((_N_NODES, _OUT_DIM), jnp.float32),
    )(node_attr, sums, cnts, global_attr, ng2, W1, b1r, W2, b2r)


def kernel(node_attr, edge_attr, global_attr, edge_index, ng_index, eg_index,
           W1, b1, W2, b2):
    eT = edge_attr.T
    zeros_n = jnp.zeros((_N_NODES,), jnp.float32)
    sums, cnts = _sc_scatter_mean_partials(eT, edge_index, zeros_n)
    ng2 = ng_index.reshape(1, _N_NODES)
    return _tc_mlp(node_attr, sums, cnts, global_attr, ng2,
                   W1, b1.reshape(1, -1), W2, b2.reshape(1, -1))

# --- scband reference (transcript-rebuilt; emitter-appended) ---
"""Pipeline reference for scband-node-block-16449724745526 (READ-ONLY COPY).

The authoritative reference and input builder live on the scoring server;
editing this copy changes nothing except your own understanding.
"""

import jax, jax.numpy as jnp
import numpy as np

N_NODES = 10000
N_EDGES = 320000
D_FEAT = 128
D_EDGE = 16
D_GLOBAL = 16
N_BATCHES = 8
IN_DIM = D_FEAT + D_EDGE + D_GLOBAL  # 160
LATENT_DIM = 32
OUT_DIM = 128


def setup_inputs(seed: int = 0) -> dict:
    key = jax.random.key(seed)
    ks = jax.random.split(key, 10)
    node_attr = jax.random.normal(ks[0], (N_NODES, D_FEAT), dtype=jnp.float32)
    edge_attr = jax.random.normal(ks[1], (N_EDGES, D_EDGE), dtype=jnp.float32)
    global_attr = jax.random.normal(ks[2], (N_BATCHES, D_GLOBAL), dtype=jnp.float32)
    edge_index = jax.random.randint(ks[3], (2, N_EDGES), 0, N_NODES, dtype=jnp.int64 if jax.config.jax_enable_x64 else jnp.int32).astype(jnp.int32)
    ng_index = jnp.sort(jax.random.randint(ks[4], (N_NODES,), 0, N_BATCHES)).astype(jnp.int32)
    eg_index = jnp.sort(jax.random.randint(ks[5], (N_EDGES,), 0, N_BATCHES)).astype(jnp.int32)
    # MLP params: Linear(160 -> 32), ReLU, Linear(32 -> 128)
    s1 = 1.0 / np.sqrt(IN_DIM)
    s2 = 1.0 / np.sqrt(LATENT_DIM)
    W1 = jax.random.uniform(ks[6], (IN_DIM, LATENT_DIM), minval=-s1, maxval=s1, dtype=jnp.float32)
    b1 = jax.random.uniform(ks[7], (LATENT_DIM,), minval=-s1, maxval=s1, dtype=jnp.float32)
    W2 = jax.random.uniform(ks[8], (LATENT_DIM, OUT_DIM), minval=-s2, maxval=s2, dtype=jnp.float32)
    b2 = jax.random.uniform(ks[9], (OUT_DIM,), minval=-s2, maxval=s2, dtype=jnp.float32)
    return {"node_attr": node_attr, "edge_attr": edge_attr, "global_attr": global_attr,
            "edge_index": edge_index, "ng_index": ng_index, "eg_index": eg_index,
            "W1": W1, "b1": b1, "W2": W2, "b2": b2}


def _scatter_mean(vals, idx, num_segments):
    sums = jax.ops.segment_sum(vals, idx, num_segments=num_segments)
    counts = jax.ops.segment_sum(jnp.ones((vals.shape[0], 1), dtype=vals.dtype), idx, num_segments=num_segments)
    return sums / jnp.maximum(counts, 1.0)


def reference(node_attr, edge_attr, global_attr, edge_index, ng_index, eg_index, W1, b1, W2, b2):
    # NodeBlock with use_nodes=True, use_sent_edges=False, use_received_edges=True,
    # use_globals=True, received_edges_reducer=scatter_mean, no masks.
    receivers_idx = edge_index[1]
    agg_received_edges = _scatter_mean(edge_attr, receivers_idx, N_NODES)
    expanded_global_attr = global_attr[ng_index, :]
    collected_nodes = jnp.concatenate([node_attr, agg_received_edges, expanded_global_attr], axis=-1)
    h = jnp.maximum(collected_nodes @ W1 + b1, 0.0)
    new_node_attr = h @ W2 + b2
    return new_node_attr

if __name__ == "__main__":
    import jax
    _d = setup_inputs()
    print(jax.jit(kernel)(*tuple(_d.values())))

</pallas_src>

<mosaic_0001>
#map = affine_map<(d0, d1) -> (0, 0)>
#map1 = affine_map<(d0, d1) -> (0)>
#map2 = affine_map<(d0, d1) -> (0, 0, 0)>
module attributes {stable_mosaic.version = 14 : i64} {
  func.func @scatter_kernel(%arg0: i32, %arg1: i32, %arg2: memref<16x320000xf32, #tpu.memory_space<hbm>>, %arg3: memref<2x320000xi32, #tpu.memory_space<hbm>>, %arg4: memref<10000xf32, #tpu.memory_space<hbm>>, %arg5: memref<2x16x10000xf32, #tpu.memory_space<hbm>>, %arg6: memref<2x16x10000xf32, #tpu.memory_space<hbm>>, %arg7: memref<10000xf32, #tpu.memory_space<vmem>>, %arg8: memref<10000xf32, #tpu.memory_space<vmem>>, %arg9: memref<10000xf32, #tpu.memory_space<vmem>>, %arg10: memref<16000xf32, #tpu.memory_space<vmem>>, %arg11: memref<16000xf32, #tpu.memory_space<vmem>>, %arg12: memref<16000xi32, #tpu.memory_space<vmem>>, %arg13: memref<16000xi32, #tpu.memory_space<vmem>>, %arg14: memref<!tpu.dma_semaphore, #tpu.memory_space<semaphore_mem>>, %arg15: memref<!tpu.dma_semaphore, #tpu.memory_space<semaphore_mem>>) attributes {dimension_semantics = [#tpu.dimension_semantics<core_parallel>, #tpu.dimension_semantics<subcore_parallel>], iteration_bounds = array<i64: 2, 16>, scalar_prefetch = 0 : i64, scratch_operands = 9 : i64, tpu.core_type = #tpu.core_type<sc_vector_subcore>, window_params = [{transform_indices = #map}, {transform_indices = #map}, {transform_indices = #map1}, {transform_indices = #map2}, {transform_indices = #map2}]} {
    %mul3A = arith.constant 160000 : i32
    %mul3A_0 = arith.muli %arg0, %mul3A : i32
    "tpu.region"() ({
      %run_scoped3A = tpu.sem_alloc : memref<!tpu.dma_semaphore, #tpu.memory_space<semaphore_mem>>
      tpu.enqueue_dma source(%arg4 : memref<10000xf32, #tpu.memory_space<hbm>>) target(%arg7 : memref<10000xf32, #tpu.memory_space<vmem>>) target_semaphore(%run_scoped3A : memref<!tpu.dma_semaphore, #tpu.memory_space<semaphore_mem>>)
      tpu.wait_dma2 semaphore(%run_scoped3A : memref<!tpu.dma_semaphore, #tpu.memory_space<semaphore_mem>>) src(%arg4 : memref<10000xf32, #tpu.memory_space<hbm>>) dst(%arg7 : memref<10000xf32, #tpu.memory_space<vmem>>)
      tpu.yield
    }) : () -> ()
    "tpu.region"() ({
      %run_scoped3A = tpu.sem_alloc : memref<!tpu.dma_semaphore, #tpu.memory_space<semaphore_mem>>
      tpu.enqueue_dma source(%arg4 : memref<10000xf32, #tpu.memory_space<hbm>>) target(%arg8 : memref<10000xf32, #tpu.memory_space<vmem>>) target_semaphore(%run_scoped3A : memref<!tpu.dma_semaphore, #tpu.memory_space<semaphore_mem>>)
      tpu.wait_dma2 semaphore(%run_scoped3A : memref<!tpu.dma_semaphore, #tpu.memory_space<semaphore_mem>>) src(%arg4 : memref<10000xf32, #tpu.memory_space<hbm>>) dst(%arg8 : memref<10000xf32, #tpu.memory_space<vmem>>)
      tpu.yield
    }) : () -> ()
    "tpu.region"() ({
      %run_scoped3A = tpu.sem_alloc : memref<!tpu.dma_semaphore, #tpu.memory_space<semaphore_mem>>
      tpu.enqueue_dma source(%arg4 : memref<10000xf32, #tpu.memory_space<hbm>>) target(%arg9 : memref<10000xf32, #tpu.memory_space<vmem>>) target_semaphore(%run_scoped3A : memref<!tpu.dma_semaphore, #tpu.memory_space<semaphore_mem>>)
      tpu.wait_dma2 semaphore(%run_scoped3A : memref<!tpu.dma_semaphore, #tpu.memory_space<semaphore_mem>>) src(%arg4 : memref<10000xf32, #tpu.memory_space<hbm>>) dst(%arg9 : memref<10000xf32, #tpu.memory_space<vmem>>)
      tpu.yield
    }) : () -> ()
    %broadcast_in_dim3A = arith.constant 1.000000e+00 : f32
    %broadcast_in_dim3A_1 = vector.broadcast %broadcast_in_dim3A : f32 to vector<16xf32>
    %scan3A = arith.constant 0 : i32
    %scan3A_2 = arith.constant 5 : i32
    %scan3A_3 = arith.addi %scan3A, %scan3A_2 : i32
    %scan3A_4 = arith.constant 1 : i32
    scf.for %scan3A_29 = %scan3A to %scan3A_3 step %scan3A_4  : i32 {
      %mul3A_30 = arith.constant 2 : i32
      %mul3A_31 = arith.muli %scan3A_29, %mul3A_30 : i32
      %add3A_32 = arith.constant 0 : i32
      %add3A_33 = arith.addi %add3A_32, %mul3A_31 : i32
      %mul3A_34 = arith.constant 16000 : i32
      %mul3A_35 = arith.muli %add3A_33, %mul3A_34 : i32
      %add3A_36 = arith.addi %mul3A_0, %mul3A_35 : i32
      %dma_start3A_37 = tpu.memref_slice %arg2[%arg1, %add3A_36] : memref<16x320000xf32, #tpu.memory_space<hbm>> -> memref<1x16000xf32, #tpu.memory_space<hbm>>
      %dma_start3A_38 = tpu.memref_squeeze %dma_start3A_37 : memref<1x16000xf32, #tpu.memory_space<hbm>> -> memref<16000xf32, #tpu.memory_space<hbm>>
      %dma_start3A_39 = tpu.memref_slice %arg2[%arg1, %add3A_36] : memref<16x320000xf32, #tpu.memory_space<hbm>> -> memref<1x16000xf32, #tpu.memory_space<hbm>>
      %dma_start3A_40 = tpu.memref_squeeze %dma_start3A_39 : memref<1x16000xf32, #tpu.memory_space<hbm>> -> memref<16000xf32, #tpu.memory_space<hbm>>
      tpu.enqueue_dma source(%dma_start3A_40 : memref<16000xf32, #tpu.memory_space<hbm>>) target(%arg10 : memref<16000xf32, #tpu.memory_space<vmem>>) target_semaphore(%arg14 : memref<!tpu.dma_semaphore, #tpu.memory_space<semaphore_mem>>)
      %dma_start3A_41 = arith.constant 1 : i32
      %dma_start3A_42 = tpu.memref_slice %arg3[%dma_start3A_41, %add3A_36] : memref<2x320000xi32, #tpu.memory_space<hbm>> -> memref<1x16000xi32, #tpu.memory_space<hbm>>
      %dma_start3A_43 = tpu.memref_squeeze %dma_start3A_42 : memref<1x16000xi32, #tpu.memory_space<hbm>> -> memref<16000xi32, #tpu.memory_space<hbm>>
      %dma_start3A_44 = tpu.memref_slice %arg3[%dma_start3A_41, %add3A_36] : memref<2x320000xi32, #tpu.memory_space<hbm>> -> memref<1x16000xi32, #tpu.memory_space<hbm>>
      %dma_start3A_45 = tpu.memref_squeeze %dma_start3A_44 : memref<1x16000xi32, #tpu.memory_space<hbm>> -> memref<16000xi32, #tpu.memory_space<hbm>>
      tpu.enqueue_dma source(%dma_start3A_45 : memref<16000xi32, #tpu.memory_space<hbm>>) target(%arg12 : memref<16000xi32, #tpu.memory_space<vmem>>) target_semaphore(%arg14 : memref<!tpu.dma_semaphore, #tpu.memory_space<semaphore_mem>>)
      %add3A_46 = arith.constant 1 : i32
      %add3A_47 = arith.addi %add3A_33, %add3A_46 : i32
      %mul3A_48 = arith.constant 16000 : i32
      %mul3A_49 = arith.muli %add3A_47, %mul3A_48 : i32
      %add3A_50 = arith.addi %mul3A_0, %mul3A_49 : i32
      %dma_start3A_51 = tpu.memref_slice %arg2[%arg1, %add3A_50] : memref<16x320000xf32, #tpu.memory_space<hbm>> -> memref<1x16000xf32, #tpu.memory_space<hbm>>
      %dma_start3A_52 = tpu.memref_squeeze %dma_start3A_51 : memref<1x16000xf32, #tpu.memory_space<hbm>> -> memref<16000xf32, #tpu.memory_space<hbm>>
      %dma_start3A_53 = tpu.memref_slice %arg2[%arg1, %add3A_50] : memref<16x320000xf32, #tpu.memory_space<hbm>> -> memref<1x16000xf32, #tpu.memory_space<hbm>>
      %dma_start3A_54 = tpu.memref_squeeze %dma_start3A_53 : memref<1x16000xf32, #tpu.memory_space<hbm>> -> memref<16000xf32, #tpu.memory_space<hbm>>
      tpu.enqueue_dma source(%dma_start3A_54 : memref<16000xf32, #tpu.memory_space<hbm>>) target(%arg11 : memref<16000xf32, #tpu.memory_space<vmem>>) target_semaphore(%arg15 : memref<!tpu.dma_semaphore, #tpu.memory_space<semaphore_mem>>)
      %dma_start3A_55 = arith.constant 1 : i32
      %dma_start3A_56 = tpu.memref_slice %arg3[%dma_start3A_55, %add3A_50] : memref<2x320000xi32, #tpu.memory_space<hbm>> -> memref<1x16000xi32, #tpu.memory_space<hbm>>
      %dma_start3A_57 = tpu.memref_squeeze %dma_start3A_56 : memref<1x16000xi32, #tpu.memory_space<hbm>> -> memref<16000xi32, #tpu.memory_space<hbm>>
      %dma_start3A_58 = tpu.memref_slice %arg3[%dma_start3A_55, %add3A_50] : memref<2x320000xi32, #tpu.memory_space<hbm>> -> memref<1x16000xi32, #tpu.memory_space<hbm>>
      %dma_start3A_59 = tpu.memref_squeeze %dma_start3A_58 : memref<1x16000xi32, #tpu.memory_space<hbm>> -> memref<16000xi32, #tpu.memory_space<hbm>>
      tpu.enqueue_dma source(%dma_start3A_59 : memref<16000xi32, #tpu.memory_space<hbm>>) target(%arg13 : memref<16000xi32, #tpu.memory_space<vmem>>) target_semaphore(%arg15 : memref<!tpu.dma_semaphore, #tpu.memory_space<semaphore_mem>>)
      %dma_wait3A_60 = tpu.memref_slice %arg2[%arg1, %add3A_36] : memref<16x320000xf32, #tpu.memory_space<hbm>> -> memref<1x16000xf32, #tpu.memory_space<hbm>>
      %dma_wait3A_61 = tpu.memref_squeeze %dma_wait3A_60 : memref<1x16000xf32, #tpu.memory_space<hbm>> -> memref<16000xf32, #tpu.memory_space<hbm>>
      %dma_wait3A_62 = tpu.memref_slice %arg2[%arg1, %add3A_36] : memref<16x320000xf32, #tpu.memory_space<hbm>> -> memref<1x16000xf32, #tpu.memory_space<hbm>>
      %dma_wait3A_63 = tpu.memref_squeeze %dma_wait3A_62 : memref<1x16000xf32, #tpu.memory_space<hbm>> -> memref<16000xf32, #tpu.memory_space<hbm>>
      tpu.wait_dma2 semaphore(%arg14 : memref<!tpu.dma_semaphore, #tpu.memory_space<semaphore_mem>>) src(%dma_wait3A_63 : memref<16000xf32, #tpu.memory_space<hbm>>) dst(%arg10 : memref<16000xf32, #tpu.memory_space<vmem>>)
      %dma_wait3A_64 = arith.constant 1 : i32
      %dma_wait3A_65 = tpu.memref_slice %arg3[%dma_wait3A_64, %add3A_36] : memref<2x320000xi32, #tpu.memory_space<hbm>> -> memref<1x16000xi32, #tpu.memory_space<hbm>>
      %dma_wait3A_66 = tpu.memref_squeeze %dma_wait3A_65 : memref<1x16000xi32, #tpu.memory_space<hbm>> -> memref<16000xi32, #tpu.memory_space<hbm>>
      %dma_wait3A_67 = tpu.memref_slice %arg3[%dma_wait3A_64, %add3A_36] : memref<2x320000xi32, #tpu.memory_space<hbm>> -> memref<1x16000xi32, #tpu.memory_space<hbm>>
      %dma_wait3A_68 = tpu.memref_squeeze %dma_wait3A_67 : memref<1x16000xi32, #tpu.memory_space<hbm>> -> memref<16000xi32, #tpu.memory_space<hbm>>
      tpu.wait_dma2 semaphore(%arg14 : memref<!tpu.dma_semaphore, #tpu.memory_space<semaphore_mem>>) src(%dma_wait3A_68 : memref<16000xi32, #tpu.memory_space<hbm>>) dst(%arg12 : memref<16000xi32, #tpu.memory_space<vmem>>)
      %parallel_loop3A_69 = arith.constant 0 : i32
      %parallel_loop3A_70 = arith.constant 500 : i32
      %parallel_loop3A_71 = arith.constant 1 : i32
      scf.for %parallel_loop3A_84 = %parallel_loop3A_69 to %parallel_loop3A_70 step %parallel_loop3A_71  : i32 {
        %parallel_loop3A_85 = arith.constant 32 : i32
        %parallel_loop3A_86 = arith.muli %parallel_loop3A_85, %parallel_loop3A_84 : i32
        %parallel_loop3A_87 = arith.index_cast %parallel_loop3A_86 : i32 to index
        %parallel_loop3A_88 = tpu.vector_load %arg12[%parallel_loop3A_87] {strides = array<i32>} : memref<16000xi32, #tpu.memory_space<vmem>>, vector<16xi32>,
        %parallel_loop3A_89 = arith.constant 32 : i32
        %parallel_loop3A_90 = arith.muli %parallel_loop3A_89, %parallel_loop3A_84 : i32
        %parallel_loop3A_91 = arith.index_cast %parallel_loop3A_90 : i32 to index
        %parallel_loop3A_92 = tpu.vector_load %arg10[%parallel_loop3A_91] {strides = array<i32>} : memref<16000xf32, #tpu.memory_space<vmem>>, vector<16xf32>,
        tpu.vector_store_idx %arg7[%parallel_loop3A_88], %parallel_loop3A_92 {add = true} : memref<10000xf32, #tpu.memory_space<vmem>>[vector<16xi32>], vector<16xf32>,
        %parallel_loop3A_93 = arith.constant 32 : i32
        %parallel_loop3A_94 = arith.muli %parallel_loop3A_93, %parallel_loop3A_84 : i32
        %parallel_loop3A_95 = arith.constant 16 : i32
        %parallel_loop3A_96 = arith.addi %parallel_loop3A_94, %parallel_loop3A_95 : i32
        %parallel_loop3A_97 = arith.index_cast %parallel_loop3A_96 : i32 to index
        %parallel_loop3A_98 = tpu.vector_load %arg12[%parallel_loop3A_97] {strides = array<i32>} : memref<16000xi32, #tpu.memory_space<vmem>>, vector<16xi32>,
        %parallel_loop3A_99 = arith.constant 32 : i32
        %parallel_loop3A_100 = arith.muli %parallel_loop3A_99, %parallel_loop3A_84 : i32
        %parallel_loop3A_101 = arith.constant 16 : i32
        %parallel_loop3A_102 = arith.addi %parallel_loop3A_100, %parallel_loop3A_101 : i32
        %parallel_loop3A_103 = arith.index_cast %parallel_loop3A_102 : i32 to index
        %parallel_loop3A_104 = tpu.vector_load %arg10[%parallel_loop3A_103] {strides = array<i32>} : memref<16000xf32, #tpu.memory_space<vmem>>, vector<16xf32>,
        tpu.vector_store_idx %arg8[%parallel_loop3A_98], %parallel_loop3A_104 {add = true} : memref<10000xf32, #tpu.memory_space<vmem>>[vector<16xi32>], vector<16xf32>,
      } {sc.loop_unroll_factor = 4 : i64, sc.parallel_access}
      %dma_wait3A_72 = tpu.memref_slice %arg2[%arg1, %add3A_50] : memref<16x320000xf32, #tpu.memory_space<hbm>> -> memref<1x16000xf32, #tpu.memory_space<hbm>>
      %dma_wait3A_73 = tpu.memref_squeeze %dma_wait3A_72 : memref<1x16000xf32, #tpu.memory_space<hbm>> -> memref<16000xf32, #tpu.memory_space<hbm>>
      %dma_wait3A_74 = tpu.memref_slice %arg2[%arg1, %add3A_50] : memref<16x320000xf32, #tpu.memory_space<hbm>> -> memref<1x16000xf32, #tpu.memory_space<hbm>>
      %dma_wait3A_75 = tpu.memref_squeeze %dma_wait3A_74 : memref<1x16000xf32, #tpu.memory_space<hbm>> -> memref<16000xf32, #tpu.memory_space<hbm>>
      tpu.wait_dma2 semaphore(%arg15 : memref<!tpu.dma_semaphore, #tpu.memory_space<semaphore_mem>>) src(%dma_wait3A_75 : memref<16000xf32, #tpu.memory_space<hbm>>) dst(%arg11 : memref<16000xf32, #tpu.memory_space<vmem>>)
      %dma_wait3A_76 = arith.constant 1 : i32
      %dma_wait3A_77 = tpu.memref_slice %arg3[%dma_wait3A_76, %add3A_50] : memref<2x320000xi32, #tpu.memory_space<hbm>> -> memref<1x16000xi32, #tpu.memory_space<hbm>>
      %dma_wait3A_78 = tpu.memref_squeeze %dma_wait3A_77 : memref<1x16000xi32, #tpu.memory_space<hbm>> -> memref<16000xi32, #tpu.memory_space<hbm>>
      %dma_wait3A_79 = tpu.memref_slice %arg3[%dma_wait3A_76, %add3A_50] : memref<2x320000xi32, #tpu.memory_space<hbm>> -> memref<1x16000xi32, #tpu.memory_space<hbm>>
      %dma_wait3A_80 = tpu.memref_squeeze %dma_wait3A_79 : memref<1x16000xi32, #tpu.memory_space<hbm>> -> memref<16000xi32, #tpu.memory_space<hbm>>
      tpu.wait_dma2 semaphore(%arg15 : memref<!tpu.dma_semaphore, #tpu.memory_space<semaphore_mem>>) src(%dma_wait3A_80 : memref<16000xi32, #tpu.memory_space<hbm>>) dst(%arg13 : memref<16000xi32, #tpu.memory_space<vmem>>)
      %parallel_loop3A_81 = arith.constant 0 : i32
      %parallel_loop3A_82 = arith.constant 500 : i32
      %parallel_loop3A_83 = arith.constant 1 : i32
      scf.for %parallel_loop3A_84 = %parallel_loop3A_81 to %parallel_loop3A_82 step %parallel_loop3A_83  : i32 {
        %parallel_loop3A_85 = arith.constant 32 : i32
        %parallel_loop3A_86 = arith.muli %parallel_loop3A_85, %parallel_loop3A_84 : i32
        %parallel_loop3A_87 = arith.index_cast %parallel_loop3A_86 : i32 to index
        %parallel_loop3A_88 = tpu.vector_load %arg13[%parallel_loop3A_87] {strides = array<i32>} : memref<16000xi32, #tpu.memory_space<vmem>>, vector<16xi32>,
        %parallel_loop3A_89 = arith.constant 32 : i32
        %parallel_loop3A_90 = arith.muli %parallel_loop3A_89, %parallel_loop3A_84 : i32
        %parallel_loop3A_91 = arith.index_cast %parallel_loop3A_90 : i32 to index
        %parallel_loop3A_92 = tpu.vector_load %arg11[%parallel_loop3A_91] {strides = array<i32>} : memref<16000xf32, #tpu.memory_space<vmem>>, vector<16xf32>,
        tpu.vector_store_idx %arg7[%parallel_loop3A_88], %parallel_loop3A_92 {add = true} : memref<10000xf32, #tpu.memory_space<vmem>>[vector<16xi32>], vector<16xf32>,
        %parallel_loop3A_93 = arith.constant 32 : i32
        %parallel_loop3A_94 = arith.muli %parallel_loop3A_93, %parallel_loop3A_84 : i32
        %parallel_loop3A_95 = arith.constant 16 : i32
        %parallel_loop3A_96 = arith.addi %parallel_loop3A_94, %parallel_loop3A_95 : i32
        %parallel_loop3A_97 = arith.index_cast %parallel_loop3A_96 : i32 to index
        %parallel_loop3A_98 = tpu.vector_load %arg13[%parallel_loop3A_97] {strides = array<i32>} : memref<16000xi32, #tpu.memory_space<vmem>>, vector<16xi32>,
        %parallel_loop3A_99 = arith.constant 32 : i32
        %parallel_loop3A_100 = arith.muli %parallel_loop3A_99, %parallel_loop3A_84 : i32
        %parallel_loop3A_101 = arith.constant 16 : i32
        %parallel_loop3A_102 = arith.addi %parallel_loop3A_100, %parallel_loop3A_101 : i32
        %parallel_loop3A_103 = arith.index_cast %parallel_loop3A_102 : i32 to index
        %parallel_loop3A_104 = tpu.vector_load %arg11[%parallel_loop3A_103] {strides = array<i32>} : memref<16000xf32, #tpu.memory_space<vmem>>, vector<16xf32>,
        tpu.vector_store_idx %arg8[%parallel_loop3A_98], %parallel_loop3A_104 {add = true} : memref<10000xf32, #tpu.memory_space<vmem>>[vector<16xi32>], vector<16xf32>,
      } {sc.loop_unroll_factor = 4 : i64, sc.parallel_access}
    }
    %scan3A_5 = arith.constant 5 : i32
    %mul3A_6 = arith.constant 10000 : i32
    %mul3A_7 = arith.muli %arg1, %mul3A_6 : i32
    %add3A = arith.addi %mul3A_0, %mul3A_7 : i32
    %dma_start3A = arith.constant 1 : i32
    %dma_start3A_8 = arith.constant 0 : i32
    %dma_start3A_9 = tpu.memref_slice %arg12[%dma_start3A_8] : memref<16000xi32, #tpu.memory_space<vmem>> -> memref<10000xi32, #tpu.memory_space<vmem>>
    %dma_start3A_10 = tpu.memref_slice %arg3[%dma_start3A, %add3A] : memref<2x320000xi32, #tpu.memory_space<hbm>> -> memref<1x10000xi32, #tpu.memory_space<hbm>>
    %dma_start3A_11 = tpu.memref_squeeze %dma_start3A_10 : memref<1x10000xi32, #tpu.memory_space<hbm>> -> memref<10000xi32, #tpu.memory_space<hbm>>
    %dma_start3A_12 = arith.constant 0 : i32
    %dma_start3A_13 = tpu.memref_slice %arg12[%dma_start3A_12] : memref<16000xi32, #tpu.memory_space<vmem>> -> memref<10000xi32, #tpu.memory_space<vmem>>
    %dma_start3A_14 = tpu.memref_slice %arg3[%dma_start3A, %add3A] : memref<2x320000xi32, #tpu.memory_space<hbm>> -> memref<1x10000xi32, #tpu.memory_space<hbm>>
    %dma_start3A_15 = tpu.memref_squeeze %dma_start3A_14 : memref<1x10000xi32, #tpu.memory_space<hbm>> -> memref<10000xi32, #tpu.memory_space<hbm>>
    tpu.enqueue_dma source(%dma_start3A_15 : memref<10000xi32, #tpu.memory_space<hbm>>) target(%dma_start3A_13 : memref<10000xi32, #tpu.memory_space<vmem>>) target_semaphore(%arg14 : memref<!tpu.dma_semaphore, #tpu.memory_space<semaphore_mem>>)
    %dma_wait3A = arith.constant 1 : i32
    %dma_wait3A_16 = arith.constant 0 : i32
    %dma_wait3A_17 = tpu.memref_slice %arg12[%dma_wait3A_16] : memref<16000xi32, #tpu.memory_space<vmem>> -> memref<10000xi32, #tpu.memory_space<vmem>>
    %dma_wait3A_18 = tpu.memref_slice %arg3[%dma_wait3A, %add3A] : memref<2x320000xi32, #tpu.memory_space<hbm>> -> memref<1x10000xi32, #tpu.memory_space<hbm>>
    %dma_wait3A_19 = tpu.memref_squeeze %dma_wait3A_18 : memref<1x10000xi32, #tpu.memory_space<hbm>> -> memref<10000xi32, #tpu.memory_space<hbm>>
    %dma_wait3A_20 = arith.constant 0 : i32
    %dma_wait3A_21 = tpu.memref_slice %arg12[%dma_wait3A_20] : memref<16000xi32, #tpu.memory_space<vmem>> -> memref<10000xi32, #tpu.memory_space<vmem>>
    %dma_wait3A_22 = tpu.memref_slice %arg3[%dma_wait3A, %add3A] : memref<2x320000xi32, #tpu.memory_space<hbm>> -> memref<1x10000xi32, #tpu.memory_space<hbm>>
    %dma_wait3A_23 = tpu.memref_squeeze %dma_wait3A_22 : memref<1x10000xi32, #tpu.memory_space<hbm>> -> memref<10000xi32, #tpu.memory_space<hbm>>
    tpu.wait_dma2 semaphore(%arg14 : memref<!tpu.dma_semaphore, #tpu.memory_space<semaphore_mem>>) src(%dma_wait3A_23 : memref<10000xi32, #tpu.memory_space<hbm>>) dst(%dma_wait3A_21 : memref<10000xi32, #tpu.memory_space<vmem>>)
    %parallel_loop3A = arith.constant 0 : i32
    %parallel_loop3A_24 = arith.constant 625 : i32
    %parallel_loop3A_25 = arith.constant 1 : i32
    scf.for %parallel_loop3A_29 = %parallel_loop3A to %parallel_loop3A_24 step %parallel_loop3A_25  : i32 {
      %parallel_loop3A_30 = arith.constant 16 : i32
      %parallel_loop3A_31 = arith.muli %parallel_loop3A_30, %parallel_loop3A_29 : i32
      %parallel_loop3A_32 = arith.index_cast %parallel_loop3A_31 : i32 to index
      %parallel_loop3A_33 = tpu.vector_load %arg12[%parallel_loop3A_32] {strides = array<i32>} : memref<16000xi32, #tpu.memory_space<vmem>>, vector<16xi32>,
      tpu.vector_store_idx %arg9[%parallel_loop3A_33], %broadcast_in_dim3A_1 {add = true} : memref<10000xf32, #tpu.memory_space<vmem>>[vector<16xi32>], vector<16xf32>,
    } {sc.loop_unroll_factor = 1 : i64, sc.parallel_access}
    %parallel_loop3A_26 = arith.constant 0 : i32
    %parallel_loop3A_27 = arith.constant 625 : i32
    %parallel_loop3A_28 = arith.constant 1 : i32
    scf.for %parallel_loop3A_29 = %parallel_loop3A_26 to %parallel_loop3A_27 step %parallel_loop3A_28  : i32 {
      %parallel_loop3A_30 = arith.constant 16 : i32
      %parallel_loop3A_31 = arith.muli %parallel_loop3A_30, %parallel_loop3A_29 : i32
      %parallel_loop3A_32 = arith.index_cast %parallel_loop3A_31 : i32 to index
      %parallel_loop3A_33 = tpu.vector_load %arg7[%parallel_loop3A_32] {strides = array<i32>} : memref<10000xf32, #tpu.memory_space<vmem>>, vector<16xf32>,
      %parallel_loop3A_34 = arith.index_cast %parallel_loop3A_31 : i32 to index
      %parallel_loop3A_35 = tpu.vector_load %arg8[%parallel_loop3A_34] {strides = array<i32>} : memref<10000xf32, #tpu.memory_space<vmem>>, vector<16xf32>,
      %parallel_loop3A_36 = arith.addf %parallel_loop3A_33, %parallel_loop3A_35 : vector<16xf32>
      %parallel_loop3A_37 = arith.index_cast %parallel_loop3A_31 : i32 to index
      %parallel_loop3A_38 = tpu.vector_load %arg7[%parallel_loop3A_37] {strides = array<i32>} : memref<10000xf32, #tpu.memory_space<vmem>>, vector<16xf32>,
      tpu.vector_store %arg7[%parallel_loop3A_37], %parallel_loop3A_36 {strides = array<i32>} : memref<10000xf32, #tpu.memory_space<vmem>>, vector<16xf32>,
    } {sc.loop_unroll_factor = 1 : i64, sc.parallel_access}
    "tpu.region"() ({
      %run_scoped3A = tpu.sem_alloc : memref<!tpu.dma_semaphore, #tpu.memory_space<semaphore_mem>>
      %dma_start3A_29 = arith.constant 0 : i32
      %dma_start3A_30 = tpu.memref_slice %arg5[%arg0, %arg1, %dma_start3A_29] : memref<2x16x10000xf32, #tpu.memory_space<hbm>> -> memref<1x1x10000xf32, #tpu.memory_space<hbm>>
      %dma_start3A_31 = tpu.memref_squeeze %dma_start3A_30 : memref<1x1x10000xf32, #tpu.memory_space<hbm>> -> memref<10000xf32, #tpu.memory_space<hbm>>
      %dma_start3A_32 = arith.constant 0 : i32
      %dma_start3A_33 = tpu.memref_slice %arg5[%arg0, %arg1, %dma_start3A_32] : memref<2x16x10000xf32, #tpu.memory_space<hbm>> -> memref<1x1x10000xf32, #tpu.memory_space<hbm>>
      %dma_start3A_34 = tpu.memref_squeeze %dma_start3A_33 : memref<1x1x10000xf32, #tpu.memory_space<hbm>> -> memref<10000xf32, #tpu.memory_space<hbm>>
      tpu.enqueue_dma source(%arg7 : memref<10000xf32, #tpu.memory_space<vmem>>) target(%dma_start3A_34 : memref<10000xf32, #tpu.memory_space<hbm>>) target_semaphore(%run_scoped3A : memref<!tpu.dma_semaphore, #tpu.memory_space<semaphore_mem>>)
      %dma_wait3A_35 = arith.constant 0 : i32
      %dma_wait3A_36 = tpu.memref_slice %arg5[%arg0, %arg1, %dma_wait3A_35] : memref<2x16x10000xf32, #tpu.memory_space<hbm>> -> memref<1x1x10000xf32, #tpu.memory_space<hbm>>
      %dma_wait3A_37 = tpu.memref_squeeze %dma_wait3A_36 : memref<1x1x10000xf32, #tpu.memory_space<hbm>> -> memref<10000xf32, #tpu.memory_space<hbm>>
      %dma_wait3A_38 = arith.constant 0 : i32
      %dma_wait3A_39 = tpu.memref_slice %arg5[%arg0, %arg1, %dma_wait3A_38] : memref<2x16x10000xf32, #tpu.memory_space<hbm>> -> memref<1x1x10000xf32, #tpu.memory_space<hbm>>
      %dma_wait3A_40 = tpu.memref_squeeze %dma_wait3A_39 : memref<1x1x10000xf32, #tpu.memory_space<hbm>> -> memref<10000xf32, #tpu.memory_space<hbm>>
      tpu.wait_dma2 semaphore(%run_scoped3A : memref<!tpu.dma_semaphore, #tpu.memory_space<semaphore_mem>>) src(%arg7 : memref<10000xf32, #tpu.memory_space<vmem>>) dst(%dma_wait3A_40 : memref<10000xf32, #tpu.memory_space<hbm>>)
      tpu.yield
    }) : () -> ()
    "tpu.region"() ({
      %run_scoped3A = tpu.sem_alloc : memref<!tpu.dma_semaphore, #tpu.memory_space<semaphore_mem>>
      %dma_start3A_29 = arith.constant 0 : i32
      %dma_start3A_30 = tpu.memref_slice %arg6[%arg0, %arg1, %dma_start3A_29] : memref<2x16x10000xf32, #tpu.memory_space<hbm>> -> memref<1x1x10000xf32, #tpu.memory_space<hbm>>
      %dma_start3A_31 = tpu.memref_squeeze %dma_start3A_30 : memref<1x1x10000xf32, #tpu.memory_space<hbm>> -> memref<10000xf32, #tpu.memory_space<hbm>>
      %dma_start3A_32 = arith.constant 0 : i32
      %dma_start3A_33 = tpu.memref_slice %arg6[%arg0, %arg1, %dma_start3A_32] : memref<2x16x10000xf32, #tpu.memory_space<hbm>> -> memref<1x1x10000xf32, #tpu.memory_space<hbm>>
      %dma_start3A_34 = tpu.memref_squeeze %dma_start3A_33 : memref<1x1x10000xf32, #tpu.memory_space<hbm>> -> memref<10000xf32, #tpu.memory_space<hbm>>
      tpu.enqueue_dma source(%arg9 : memref<10000xf32, #tpu.memory_space<vmem>>) target(%dma_start3A_34 : memref<10000xf32, #tpu.memory_space<hbm>>) target_semaphore(%run_scoped3A : memref<!tpu.dma_semaphore, #tpu.memory_space<semaphore_mem>>)
      %dma_wait3A_35 = arith.constant 0 : i32
      %dma_wait3A_36 = tpu.memref_slice %arg6[%arg0, %arg1, %dma_wait3A_35] : memref<2x16x10000xf32, #tpu.memory_space<hbm>> -> memref<1x1x10000xf32, #tpu.memory_space<hbm>>
      %dma_wait3A_37 = tpu.memref_squeeze %dma_wait3A_36 : memref<1x1x10000xf32, #tpu.memory_space<hbm>> -> memref<10000xf32, #tpu.memory_space<hbm>>
      %dma_wait3A_38 = arith.constant 0 : i32
      %dma_wait3A_39 = tpu.memref_slice %arg6[%arg0, %arg1, %dma_wait3A_38] : memref<2x16x10000xf32, #tpu.memory_space<hbm>> -> memref<1x1x10000xf32, #tpu.memory_space<hbm>>
      %dma_wait3A_40 = tpu.memref_squeeze %dma_wait3A_39 : memref<1x1x10000xf32, #tpu.memory_space<hbm>> -> memref<10000xf32, #tpu.memory_space<hbm>>
      tpu.wait_dma2 semaphore(%run_scoped3A : memref<!tpu.dma_semaphore, #tpu.memory_space<semaphore_mem>>) src(%arg9 : memref<10000xf32, #tpu.memory_space<vmem>>) dst(%dma_wait3A_40 : memref<10000xf32, #tpu.memory_space<hbm>>)
      tpu.yield
    }) : () -> ()
    return
  }
}

module attributes {stable_mosaic.version = 14 : i64} {
  func.func @_tc_mlp_kernel(%arg0: i32, %arg1: memref<2048x128xf32, #tpu.memory_space<vmem>>, %arg2: memref<2x16x2048xf32, #tpu.memory_space<vmem>>, %arg3: memref<2x16x2048xf32, #tpu.memory_space<vmem>>, %arg4: memref<8x16xf32, #tpu.memory_space<vmem>>, %arg5: memref<1x2048xi32, #tpu.memory_space<vmem>>, %arg6: memref<160x32xf32, #tpu.memory_space<vmem>>, %arg7: memref<1x32xf32, #tpu.memory_space<vmem>>, %arg8: memref<32x128xf32, #tpu.memory_space<vmem>>, %arg9: memref<1x128xf32, #tpu.memory_space<vmem>>, %arg10: memref<2048x128xf32, #tpu.memory_space<vmem>>) attributes {dimension_semantics = [#tpu.dimension_semantics<arbitrary>], iteration_bounds = array<i64: 5>, scalar_prefetch = 0 : i64, scratch_operands = 0 : i64, tpu.core_type = #tpu.core_type<tc>, window_params = [{transform_indices = @transform_0, window_bounds = array<i64: 2048, 128>}, {transform_indices = @transform_1, window_bounds = array<i64: 2, 16, 2048>}, {transform_indices = @transform_2, window_bounds = array<i64: 2, 16, 2048>}, {pipeline_mode = #tpu.pipeline_mode<synchronous>, transform_indices = @transform_3, window_bounds = array<i64: 8, 16>}, {transform_indices = @transform_4, window_bounds = array<i64: 1, 2048>}, {pipeline_mode = #tpu.pipeline_mode<synchronous>, transform_indices = @transform_5, window_bounds = array<i64: 160, 32>}, {pipeline_mode = #tpu.pipeline_mode<synchronous>, transform_indices = @transform_6, window_bounds = array<i64: 1, 32>}, {pipeline_mode = #tpu.pipeline_mode<synchronous>, transform_indices = @transform_7, window_bounds = array<i64: 32, 128>}, {pipeline_mode = #tpu.pipeline_mode<synchronous>, transform_indices = @transform_8, window_bounds = array<i64: 1, 128>}, {transform_indices = @transform_9, window_bounds = array<i64: 2048, 128>}]} {
    %get3A = arith.constant 0 : index
    %get3A_0 = arith.constant 0 : index
    %get3A_1 = arith.constant 0 : index
    %get3A_2 = vector.load %arg2[%get3A, %get3A_0, %get3A_1] : memref<2x16x2048xf32, #tpu.memory_space<vmem>>, vector<1x16x2048xf32>
    %get3A_3 = vector.shape_cast %get3A_2 : vector<1x16x2048xf32> to vector<16x2048xf32>
    %get3A_4 = arith.constant 1 : index
    %get3A_5 = arith.constant 0 : index
    %get3A_6 = arith.constant 0 : index
    %get3A_7 = vector.load %arg2[%get3A_4, %get3A_5, %get3A_6] : memref<2x16x2048xf32, #tpu.memory_space<vmem>>, vector<1x16x2048xf32>
    %get3A_8 = vector.shape_cast %get3A_7 : vector<1x16x2048xf32> to vector<16x2048xf32>
    %add3A = arith.addf %get3A_3, %get3A_8 : vector<16x2048xf32>
    %get3A_9 = arith.constant 0 : index
    %get3A_10 = arith.constant 0 : index
    %get3A_11 = arith.constant 0 : index
    %get3A_12 = vector.load %arg3[%get3A_9, %get3A_10, %get3A_11] : memref<2x16x2048xf32, #tpu.memory_space<vmem>>, vector<2x16x2048xf32>
    %reduce_sum3A = arith.constant dense<0.000000e+00> : vector<2048xf32>
    %reduce_sum3A_13 = vector.multi_reduction <add>, %get3A_12, %reduce_sum3A [0, 1] : vector<2x16x2048xf32> to vector<2048xf32>
    %max3A = arith.constant 1.000000e+00 : f32
    %max3A_14 = vector.broadcast %max3A : f32 to vector<2048xf32>
    %max3A_15 = arith.maximumf %reduce_sum3A_13, %max3A_14 : vector<2048xf32>
    %broadcast_in_dim3A = vector.shape_cast %max3A_15 : vector<2048xf32> to vector<1x2048xf32>
    %div3A = vector.broadcast %broadcast_in_dim3A : vector<1x2048xf32> to vector<16x2048xf32>
    %div3A_16 = arith.divf %add3A, %div3A : vector<16x2048xf32>
    %get3A_17 = arith.constant 0 : index
    %get3A_18 = arith.constant 0 : index
    %get3A_19 = vector.load %arg1[%get3A_17, %get3A_18] : memref<2048x128xf32, #tpu.memory_space<vmem>>, vector<2048x128xf32>
    %get3A_20 = arith.constant 0 : index
    %get3A_21 = arith.constant 0 : index
    %get3A_22 = vector.load %arg5[%get3A_20, %get3A_21] : memref<1x2048xi32, #tpu.memory_space<vmem>>, vector<1x2048xi32>
    %get3A_23 = vector.shape_cast %get3A_22 : vector<1x2048xi32> to vector<2048xi32>
    %iota3A = tpu.iota {dimensions = array<i32: 1>} : vector<2048x8xi32>
    %broadcast_in_dim3A_24 = vector.shape_cast %get3A_23 : vector<2048xi32> to vector<2048x1xi32>
    %eq3A = vector.broadcast %broadcast_in_dim3A_24 : vector<2048x1xi32> to vector<2048x8xi32>
    %eq3A_25 = arith.cmpi eq, %eq3A, %iota3A : vector<2048x8xi32>
    %convert_element_type3A = arith.extui %eq3A_25 : vector<2048x8xi1> to vector<2048x8xi32>
    %convert_element_type3A_26 = arith.sitofp %convert_element_type3A : vector<2048x8xi32> to vector<2048x8xf32>
    %get3A_27 = arith.constant 0 : index
    %get3A_28 = arith.constant 0 : index
    %get3A_29 = vector.load %arg4[%get3A_27, %get3A_28] : memref<8x16xf32, #tpu.memory_space<vmem>>, vector<8x16xf32>
    %get3A_30 = arith.constant 144 : index
    %get3A_31 = arith.constant 0 : index
    %get3A_32 = vector.load %arg6[%get3A_30, %get3A_31] : memref<160x32xf32, #tpu.memory_space<vmem>>, vector<16x32xf32>
    %dot_general3A = arith.constant dense<0.000000e+00> : vector<8x32xf32>
    %dot_general3A_33 = tpu.matmul %get3A_29, %get3A_32, %dot_general3A {dimension_numbers = #tpu.dot_dimension_numbers<[1], [0], [0], [1], [0, 0, 1, 1], [], []>, transpose_lhs_hint = false} : vector<8x16xf32>, vector<16x32xf32>, vector<8x32xf32> -> vector<8x32xf32>
    %get3A_34 = arith.constant 128 : index
    %get3A_35 = arith.constant 0 : index
    %get3A_36 = vector.load %arg6[%get3A_34, %get3A_35] : memref<160x32xf32, #tpu.memory_space<vmem>>, vector<16x32xf32>
    %dot_general3A_37 = arith.constant dense<0.000000e+00> : vector<2048x32xf32>
    %dot_general3A_38 = tpu.matmul %div3A_16, %get3A_36, %dot_general3A_37 {dimension_numbers = #tpu.dot_dimension_numbers<[0], [0], [1], [1], [0, 1, 1, 1], [], []>, transpose_lhs_hint = false} : vector<16x2048xf32>, vector<16x32xf32>, vector<2048x32xf32> -> vector<2048x32xf32>
    %get3A_39 = arith.constant 0 : index
    %get3A_40 = arith.constant 0 : index
    %get3A_41 = vector.load %arg6[%get3A_39, %get3A_40] : memref<160x32xf32, #tpu.memory_space<vmem>>, vector<128x32xf32>
    %dot_general3A_42 = arith.constant dense<0.000000e+00> : vector<2048x32xf32>
    %dot_general3A_43 = tpu.matmul %get3A_19, %get3A_41, %dot_general3A_42 {dimension_numbers = #tpu.dot_dimension_numbers<[1], [0], [0], [1], [0, 0, 1, 1], [], []>, transpose_lhs_hint = false} : vector<2048x128xf32>, vector<128x32xf32>, vector<2048x32xf32> -> vector<2048x32xf32>
    %add3A_44 = arith.addf %dot_general3A_43, %dot_general3A_38 : vector<2048x32xf32>
    %dot_general3A_45 = arith.constant dense<0.000000e+00> : vector<2048x32xf32>
    %dot_general3A_46 = tpu.matmul %convert_element_type3A_26, %dot_general3A_33, %dot_general3A_45 {dimension_numbers = #tpu.dot_dimension_numbers<[1], [0], [0], [1], [0, 0, 1, 1], [], []>, transpose_lhs_hint = false} : vector<2048x8xf32>, vector<8x32xf32>, vector<2048x32xf32> -> vector<2048x32xf32>
    %add3A_47 = arith.addf %add3A_44, %dot_general3A_46 : vector<2048x32xf32>
    %get3A_48 = arith.constant 0 : index
    %get3A_49 = arith.constant 0 : index
    %get3A_50 = vector.load %arg7[%get3A_48, %get3A_49] : memref<1x32xf32, #tpu.memory_space<vmem>>, vector<1x32xf32>
    %add3A_51 = vector.broadcast %get3A_50 : vector<1x32xf32> to vector<2048x32xf32>
    %add3A_52 = arith.addf %add3A_47, %add3A_51 : vector<2048x32xf32>
    %max3A_53 = arith.constant 0.000000e+00 : f32
    %max3A_54 = vector.broadcast %max3A_53 : f32 to vector<2048x32xf32>
    %max3A_55 = arith.maximumf %add3A_52, %max3A_54 : vector<2048x32xf32>
    %get3A_56 = arith.constant 0 : index
    %get3A_57 = arith.constant 0 : index
    %get3A_58 = vector.load %arg8[%get3A_56, %get3A_57] : memref<32x128xf32, #tpu.memory_space<vmem>>, vector<32x128xf32>
    %dot_general3A_59 = arith.constant dense<0.000000e+00> : vector<2048x128xf32>
    %dot_general3A_60 = tpu.matmul %max3A_55, %get3A_58, %dot_general3A_59 {dimension_numbers = #tpu.dot_dimension_numbers<[1], [0], [0], [1], [0, 0, 1, 1], [], []>, transpose_lhs_hint = false} : vector<2048x32xf32>, vector<32x128xf32>, vector<2048x128xf32> -> vector<2048x128xf32>
    %get3A_61 = arith.constant 0 : index
    %get3A_62 = arith.constant 0 : index
    %get3A_63 = vector.load %arg9[%get3A_61, %get3A_62] : memref<1x128xf32, #tpu.memory_space<vmem>>, vector<1x128xf32>
    %add3A_64 = vector.broadcast %get3A_63 : vector<1x128xf32> to vector<2048x128xf32>
    %add3A_65 = arith.addf %dot_general3A_60, %add3A_64 : vector<2048x128xf32>
    %swap3A = arith.constant 0 : index
    %swap3A_66 = arith.constant 0 : index
    %swap3A_67 = vector.load %arg10[%swap3A, %swap3A_66] : memref<2048x128xf32, #tpu.memory_space<vmem>>, vector<2048x128xf32>
    tpu.vector_store %arg10[%swap3A, %swap3A_66], %add3A_65 {strides = array<i32>} : memref<2048x128xf32, #tpu.memory_space<vmem>>, vector<2048x128xf32>,
    return
  }
  func.func @transform_0(%arg0: i32) -> (i32, i32) {
    %c0_i32 = arith.constant 0 : i32
    %c0_i32_0 = arith.constant 0 : i32
    return %arg0, %c0_i32 : i32, i32
  }
  func.func @transform_1(%arg0: i32) -> (i32, i32, i32) {
    %c0_i32 = arith.constant 0 : i32
    %c0_i32_0 = arith.constant 0 : i32
    %c0_i32_1 = arith.constant 0 : i32
    return %c0_i32, %c0_i32_0, %arg0 : i32, i32, i32
  }
  func.func @transform_2(%arg0: i32) -> (i32, i32, i32) {
    %c0_i32 = arith.constant 0 : i32
    %c0_i32_0 = arith.constant 0 : i32
    %c0_i32_1 = arith.constant 0 : i32
    return %c0_i32, %c0_i32_0, %arg0 : i32, i32, i32
  }
  func.func @transform_3(%arg0: i32) -> (i32, i32) {
    %c0_i32 = arith.constant 0 : i32
    %c0_i32_0 = arith.constant 0 : i32
    %c0_i32_1 = arith.constant 0 : i32
    return %c0_i32, %c0_i32_0 : i32, i32
  }
  func.func @transform_4(%arg0: i32) -> (i32, i32) {
    %c0_i32 = arith.constant 0 : i32
    %c0_i32_0 = arith.constant 0 : i32
    return %c0_i32, %arg0 : i32, i32
  }
  func.func @transform_5(%arg0: i32) -> (i32, i32) {
    %c0_i32 = arith.constant 0 : i32
    %c0_i32_0 = arith.constant 0 : i32
    %c0_i32_1 = arith.constant 0 : i32
    return %c0_i32, %c0_i32_0 : i32, i32
  }
  func.func @transform_6(%arg0: i32) -> (i32, i32) {
    %c0_i32 = arith.constant 0 : i32
    %c0_i32_0 = arith.constant 0 : i32
    %c0_i32_1 = arith.constant 0 : i32
    return %c0_i32, %c0_i32_0 : i32, i32
  }
  func.func @transform_7(%arg0: i32) -> (i32, i32) {
    %c0_i32 = arith.constant 0 : i32
    %c0_i32_0 = arith.constant 0 : i32
    %c0_i32_1 = arith.constant 0 : i32
    return %c0_i32, %c0_i32_0 : i32, i32
  }
  func.func @transform_8(%arg0: i32) -> (i32, i32) {
    %c0_i32 = arith.constant 0 : i32
    %c0_i32_0 = arith.constant 0 : i32
    %c0_i32_1 = arith.constant 0 : i32
    return %c0_i32, %c0_i32_0 : i32, i32
  }
  func.func @transform_9(%arg0: i32) -> (i32, i32) {
    %c0_i32 = arith.constant 0 : i32
    %c0_i32_0 = arith.constant 0 : i32
    return %arg0, %c0_i32 : i32, i32
  }
}

</mosaic_0001>

<sc_bundles>
// kernel: kernel.4.cloned.1.call-start
scs
__scs_entry_jumppad:
0x0: {  	(pc) =	sbr.rel $0x88, $3  }
0x1: {  	(tag) =	ssettag $0x0;
	lr =	simm.s32 $0x1  }
0x2: {  	[smem:$0x3F98] =	sst lr;
	_ =	strace $0xD0000000  }
0x3: {  	_ = 	snop  }
0x4: {  	_ = 	snop  }
0x5: {  	_ = 	snop  }
0x6: {  	_ = 	snop  }
0x7: {  	_ = 	snop  }
__scs_overlays_trampoline_lowered:
0x8: {  	[smem:$0x3FA7] =	sst s0  }
0x9: {  	[smem:$0x3FA8] =	sst s1  }
0xa: {  	[smem:$0x3FA9] =	sst s2  }
0xb: {  	[smem:$0x3FAA] =	sst s3  }
0xc: {  	[smem:$0x3FAB] =	sst s4  }
0xd: {  	[smem:$0x3FAC] =	sst s5  }
0xe: {  	[smem:$0x3FAD] =	sst s6  }
0xf: {  	[smem:$0x3FAE] =	sst s7  }
0x10: {  	[smem:$0x3FAF] =	sst s8  }
0x11: {  	[smem:$0x3FB0] =	sst s9;
	s0 =	simm.s32 @!p0 $0x0  }
0x12: {  	s1 =	sld [smem:$0x3F96];
	s0 =	simm.s32 @p0 $0x1  }
0x13: {  	[smem:$0x3FB1] =	sst s0;
	s0 =	simm.s32 @!p1 $0x0  }
0x14: {  	s2 =	sld [smem:$0x3F95];
	s0 =	simm.s32 @p1 $0x1  }
0x15: {  	[smem:$0x3FB2] =	sst s0;
	s0 =	simm.s32 @!p2 $0x0  }
0x16: {  	s3 =	sld [smem:$0x3FDB];
	s0 =	simm.s32 @p2 $0x1  }
0x17: {  	s4 =	simm.s32 $0x1BF5;
	[smem:$0x3FB4] =	sst s0  }
0x18: {  	s0 =	sld [smem:$0x3F97];
	_ =	swait.ge [sflag:s4], $0x0  }
0x19: {  	s7 =	sld [smem:$0x3F98]  }
0x1a: {  	s8 =	sadd.s32 $0xFFFFE003, lr  }
0x1b: {  	s9 =	sadd.s32 $0xFFFFFEF7, lr;
	s5 =	simm.s32 $0xFFFFFFFF;
	p2 =	slt.u32 s8, $0xFFFFF086  }
0x1c: {  	p1 =	slt.u32 s9, $0xF7A;
	s5 =	simm.s32 @!p2 $0x0  }
0x1d: {  	s5 =	simm.s32 @p1 $0x1;
	p0 =	seq.s32 s7, s2  }
0x1e: {  	s7 =	smul.u32 @!p0 $0xF7A, s2;
	p2 =	seq.s32 @!p0 s5, $0x0  }
0x1f: {  	s9 =	smul.u32 $0xF7A, s1;
	s8 =	simm.s32 @!p0 $0x1BF5;
	p2 =	por !p2, p0  }
0x20: {  	[sflag:s8] =	ssyncset.s32 @!p0 $0xFFFFF086;
	s6 =	sadd.s32 @!p0 s3, s7;
	s7 =	simm.s32 @!p0 $0x108  }
0x21: {  	s3 =	sadd.s32 s3, s9;
	s6 =	sadd.s32 @!p0 $0x88, s6;
	s7 =	simm.s32 @p2 $0x1082  }
0x22: {  	[simem:s7], [sflag:s8] =	dma.local @!p0 [hbm:s6], $0xF7A  }
0x23: {  	s9 =	sor.u32 $0xD0000000, s2;
	s6 =	simm.s32 $0x108;
	_ =	swait.ge @!p0 [sflag:s8], $0x0  }
0x24: {  	s3 =	sadd.s32 $0x88, s3;
	s6 =	simm.s32 @!p1 $0x1082;
	[sflag:s4] =	ssyncset.s32 $0xFFFFF086  }
0x25: {  	[simem:s6], [sflag:s4] =	dma.local [hbm:s3], $0xF7A  }
0x26: {  	[smem:$0x3F98] =	sst s1;
	(tag) =	ssettag s2;
	_ =	strace s9  }
0x27: {  	s1 =	sld [smem:$0x3FA8]  }
0x28: {  	s2 =	sld [smem:$0x3FA9]  }
0x29: {  	s4 =	sld [smem:$0x3FAB]  }
0x2a: {  	p0 =	seq.s32 s5, $0x0;
	s5 =	sld [smem:$0x3FAC]  }
0x2b: {  	s6 =	sld [smem:$0x3FAD]  }
0x2c: {  	s7 =	sld [smem:$0x3FAE]  }
0x2d: {  	s3 =	simm.s32 $0x108;
	s8 =	sld [smem:$0x3FAF]  }
0x2e: {  	s3 =	simm.s32 @!p0 $0x1082;
	s9 =	sld [smem:$0x3FB0]  }
0x2f: {  	lr =	sadd.s32 s0, s3;
	s0 =	sld [smem:$0x3FA7]  }
0x30: {  	s3 =	sld [smem:$0x3FAA]  }
0x31: {  	[smem:$0x3FB3] =	sst s10  }
0x32: {  	s10 =	sld [smem:$0x3FB1];
	_ =	sdelay $0x3  }
0x33: {  	p0 =	seq.s32 s10, $0x1;
	s10 =	sld [smem:$0x3FB3];
	_ =	sdelay $0x3  }
0x34: {  	[smem:$0x3FB3] =	sst s10  }
0x35: {  	s10 =	sld [smem:$0x3FB2];
	_ =	sdelay $0x3  }
0x36: {  	p1 =	seq.s32 s10, $0x1;
	s10 =	sld [smem:$0x3FB3];
	_ =	sdelay $0x3  }
0x37: {  	[smem:$0x3FB3] =	sst s10  }
0x38: {  	s10 =	sld [smem:$0x3FB4]  }
0x39: {  	_ = 	snop;
	(pc) =	sbr.ind lr, $3  }
0x3a: {  	_ = 	snop  }
0x3b: {  	_ = 	snop  }
0x3c: {  	p2 =	seq.s32 s10, $0x1;
	s10 =	sld [smem:$0x3FB3]  }
0x3d: {  	_ =	shalt  }
0x3e: {  	_ =	shalt  }
0x3f: {  	_ =	shalt  }
0x40: {  	_ =	shalt  }
0x41: {  	_ =	shalt  }
0x42: {  	_ =	shalt  }
0x43: {  	_ =	shalt  }
0x44: {  	_ =	shalt  }
0x45: {  	_ =	shalt  }
0x46: {  	_ =	shalt  }
0x47: {  	_ =	shalt  }
0x48: {  	_ =	shalt  }
0x49: {  	_ =	shalt  }
0x4a: {  	_ =	shalt  }
0x4b: {  	_ =	shalt  }
0x4c: {  	_ =	shalt  }
0x4d: {  	_ =	shalt  }
0x4e: {  	_ =	shalt  }
0x4f: {  	_ =	shalt  }
0x50: {  	_ =	shalt  }
0x51: {  	_ =	shalt  }
0x52: {  	_ =	shalt  }
0x53: {  	_ =	shalt  }
0x54: {  	_ =	shalt  }
0x55: {  	_ =	shalt  }
0x56: {  	_ =	shalt  }
0x57: {  	_ =	shalt  }
0x58: {  	_ =	shalt  }
0x59: {  	_ =	shalt  }
0x5a: {  	_ =	shalt  }
0x5b: {  	_ =	shalt  }
0x5c: {  	_ =	shalt  }
0x5d: {  	_ =	shalt  }
0x5e: {  	_ =	shalt  }
0x5f: {  	_ =	shalt  }
0x60: {  	_ =	shalt  }
0x61: {  	_ =	shalt  }
0x62: {  	_ =	shalt  }
0x63: {  	_ =	shalt  }
0x64: {  	_ =	shalt  }
0x65: {  	_ =	shalt  }
0x66: {  	_ =	shalt  }
0x67: {  	_ =	shalt  }
0x68: {  	_ =	shalt  }
0x69: {  	_ =	shalt  }
0x6a: {  	_ =	shalt  }
0x6b: {  	_ =	shalt  }
0x6c: {  	_ =	shalt  }
0x6d: {  	_ =	shalt  }
0x6e: {  	_ =	shalt  }
0x6f: {  	_ =	shalt  }
0x70: {  	_ =	shalt  }
0x71: {  	_ =	shalt  }
0x72: {  	_ =	shalt  }
0x73: {  	_ =	shalt  }
0x74: {  	_ =	shalt  }
0x75: {  	_ =	shalt  }
0x76: {  	_ =	shalt  }
0x77: {  	_ =	shalt  }
0x78: {  	_ =	shalt  }
0x79: {  	_ =	shalt  }
0x7a: {  	_ =	shalt  }
0x7b: {  	_ =	shalt  }
0x7c: {  	_ =	shalt  }
0x7d: {  	_ =	shalt  }
0x7e: {  	_ =	shalt  }
0x7f: {  	_ =	shalt  }
0x80: {  	_ =	shalt  }
0x81: {  	_ =	shalt  }
0x82: {  	_ =	shalt  }
0x83: {  	_ =	shalt  }
0x84: {  	_ =	shalt  }
0x85: {  	_ =	shalt  }
0x86: {  	_ =	shalt  }
0x87: {  	_ =	shalt  }
.Lfunc_end0:
.L_simem_size_0:
called_computation_lowered:
.L_overlay_start_0:
0x88: {  	s2 =	sld [smem:$0x3FD9]  }
0x89: {  	s3 =	sld [smem:$0x3FFE];
	_ =	sdelay $0x1  }
0x8a: {  	s1 =	srdreg.scid  }
0x8b: {  	s0 =	sand.u32 $0x1, s1  }
0x8c: {  	s17 =	sshll.u32 s0, $0xA;
	s2 =	sadd.s32 s3, s2  }
0x8d: {  	s2 =	sadd.s32 s2, s17  }
0x8e: {  	[smem:$0x3FBF] =	sst s2  }
0x8f: {  	_ = 	snop  }
0x90: {  	s2 =	sld [smem:$0x3FD0];
	(tm) =	ssettm $0x1  }
0x91: {  	s18 =	sld [smem:$0x3FFB];
	_ =	sdelay $0x3  }
0x92: {  	_ =	strace s18  }
0x93: {  	s3 =	sld [smem:$0x3FFC];
	_ =	sdelay $0x3  }
0x94: {  	_ =	strace s3  }
0x95: {  	s3 =	sld [smem:$0x3FFD];
	_ =	sdelay $0x3  }
0x96: {  	_ =	strace s3  }
0x97: {  	_ =	strace $0x8FFFFFFF  }
0x98: {  	s19 =	sld [smem:$0x3FDB];
	_ =	sdelay $0x1  }
0x99: {  	s4 =	simm.s32 $_scs_section_size  }
0x9a: {  	s5 =	simm.s32 $_size__tile_overlayer_lowered;
	s6 =	simm.s32 $_tile_overlayer_lowered  }
0x9b: {  	s22 =	simm.s32 $0x1BFF;
	s21 =	sshll.u32 s6, $0x1;
	s3 =	sadd.s32 s4, s19  }
0x9c: {  	s7 =	simm.s32 $0x0;
	s20 =	sshll.u32 s5, $0x1;
	s5 =	sadd.s32 s21, s3  }
0x9d: {  	[timem:s7], [sflag:s22] =	dma.local [hbm:s5], s20  }
0x9e: {  	_ =	swait.ge [sflag:s22], s20  }
0x9f: {  	s4 =	ssub.s32 $0x0, s20;
	[sflag:s22] =	ssyncset.done $0x0  }
0xa0: {  	[sflag:s22] =	ssyncadd.s32 s4;
	_ =	sdelay $0x1  }
0xa1: {  	s23 =	simm.s32 $0x1B8B  }
0xa2: {  	_ =	swait.ge [sflag:s23], $0x1  }
0xa3: {  	[sflag:s23] =	ssyncset.done $0x0  }
0xa4: {  	s25 =	simm.s32 $0x1B8E;
	s24 =	sld [smem:$0x3FFE];
	[sflag:s23] =	ssyncadd.s32 $0xFFFFFFFF  }
0xa5: {  	s26 =	simm.s32 $execute0_lowered;
	[smem:$0x3FD2] =	sst s25  }
0xa6: {  	s5 =	sshll.u32 s26, $0x1;
	_ =	strace $0x80000046;
	[dreg:$0x1] =	wrdreg $0xFFFFFFFF  }
0xa7: {  	s28 =	simm.s32 $_size_execute0_lowered;
	s3 =	sadd.s32 s3, s5;
	[dreg:$0x0] =	wrdreg $0x0  }
0xa8: {  	s5 =	sshll.u32 s28, $0x1;
	[dreg:$0x2] =	wrdreg s3  }
0xa9: {  	[dreg:$0x3] =	wrdreg s5  }
0xaa: {  	[dreg:$0x4] =	wrdreg $0xC0  }
0xab: {  	_ =	task [dreg:s7], $0x5FFFF  }
0xac: {  	[dreg:$0x1] =	wrdreg $0xFFFFFFFF  }
0xad: {  	[dreg:$0x0] =	wrdreg $0x60  }
0xae: {  	[dreg:$0x2] =	wrdreg s24  }
0xaf: {  	[dreg:$0x3] =	wrdreg s2  }
0xb0: {  	[dreg:$0x4] =	wrdreg $0x9  }
0xb1: {  	_ =	task.clear_ibuf [dreg:s7], $0x5FFFF;
	_ =	strace $0x90000046  }
0xb2: {  	s29 =	simm.s32 $0x9;
	_ =	strace $0x80000048  }
0xb3: {  	_ =	swait.ge [sflag:s29], $0x1  }
0xb4: {  	[sflag:s29] =	ssyncadd.s32 $0xFFFFFFFF  }
0xb5: {  	_ =	strace $0x90000048  }
0xb6: {  	_ =	sfence  }
0xb7: {  	s30 =	sld [smem:$0x0];
	_ =	sdelay $0x2  }
0xb8: {  	s31 =	sshll.u32 s1, $0xD;
	s1 =	sshrl.u32 s1, $0x2  }
0xb9: {  	s3 =	sand.u32 $0x4000, s31;
	s1 =	sadd.s32 s1, s30  }
0xba: {  	s0 =	sor.u32 s3, s0;
	s1 =	sshll.u32 s1, $0x11  }
0xbb: {  	s0 =	sor.u32 s1, s0  }
0xbc: {  	s0 =	sadd.s32 $0x8F2B, s0  }
0xbd: {  	[sflag:s0] =	ssyncadd.remote.s32 $0x1  }
0xbe: {  	_ =	sfence.sel $0xFFFF  }
0xbf: {  	[dreg:$0x0] =	wrdreg $0xFFFFFFFF;
	(pc) =	sbr.abs _section_cstart, $3  }
0xc0: {  	[dreg:$0x1] =	wrdreg $0xFFFFFFFF  }
0xc1: {  	_ =	task.clear_ibuf [dreg:s7], $0x2FFFF;
	_ =	strace $0x9FFFFFFF  }
0xc2: {  	(tm) =	ssettm $0x7FFFFFFF  }
0xc3: {  	_ =	shalt  }
tec
execute0_lowered:
.L_overlay_start_1:
0x0: {  	(tag) =	ssettag $0x1  }
0x1: {  	s7 =	rddreg [dreg:$0x0]  }
0x2: {  	s0 =	srdreg.scid;
	s2 =	rddreg [dreg:$0x1]  }
0x3: {  	s1 =	stileid.u32;
	s4 =	simm.s32 $0x0;
	s13 =	simm.s32 $0x3  }
0x4: {  	s14 =	simm.s32 $0x2710;
	s15 =	simm.s32 $0x4E20;
	s16 =	simm.s32 $0x7530  }
0x5: {  	s17 =	simm.s32 $0xF230;
	s18 =	simm.s32 $0xB3B0;
	s19 =	simm.s32 $0x130B0  }
0x6: {  	s20 =	simm.s32 $0x1;
	s6 =	sand.u32 $0x1, s0;
	s5 =	smul.u32 $0x2710, s1  }
0x7: {  	s21 =	simm.s32 $0x2;
	s0 =	rddreg [dreg:$0x2];
	s3 =	smul.u32 $0x27100, s6  }
0x8: {  	s22 =	simm.s32 $0x0;
	[smem:$0x7FF] =	sst s4;
	s9 =	ssub.s32 $0x2, s6  }
0x9: {  	_ =	strace $0x80000047;
	s30 =	sshrl.u32 s9, $0x1;
	s8 =	sadd.s32 s5, s3  }
0xa: {  	s6 =	sadd.s32 $0x9E400, s7;
	s12 =	ssub.s32 s9, s30;
	s8 =	sshrl.u32 s8, $0x3  }
0xb: {  	s5 =	sadd.s32 $0x2000, s7;
	s12 =	smax.u32 s12, $0x1;
	s11 =	sadd.s32 s8, s7  }
0xc: {  	s7 =	smul.u32 $0x4E200, s1;
	s31 =	sadd.s32 s2, s8;
	s8 =	sadd.s32 $0x3E80, s3  }
0xd: {  	v0 =	vimm.f32 $1.000000000e+00;
	s9 =	sadd.s32 $0x9C40, s31;
	s10 =	sadd.s32 $0xA8800, s11;
	s11 =	sadd.s32 $0x9EA00, s11  }
.LBB2_1:
0xe: {  	[tilespmem:s4], [sflag:$0x3] =	stream.linear.gather [hbm4b:s6+s4], $0x2710, $0x38;
	[tilespmem:$0x16F30] =	vst v63  }
0xf: {  	_ =	swait.ge [sflag:s13], $0x2710  }
0x10: {  	[sflag:s13] =	ssyncset.done $0x0  }
0x11: {  	[sflag:s13] =	ssyncadd.s32 $0xFFFFD8F0  }
0x12: {  	[tilespmem:s14], [sflag:$0x3] =	stream.linear.gather [hbm4b:s6+s4], $0x2710, $0x38;
	[tilespmem:$0x16F30] =	vst v63  }
0x13: {  	_ =	swait.ge [sflag:s13], $0x2710  }
0x14: {  	[sflag:s13] =	ssyncset.done $0x0  }
0x15: {  	[sflag:s13] =	ssyncadd.s32 $0xFFFFD8F0  }
0x16: {  	[tilespmem:s15], [sflag:$0x3] =	stream.linear.gather [hbm4b:s6+s4], $0x2710, $0x38;
	[tilespmem:$0x16F30] =	vst v63  }
0x17: {  	_ =	swait.ge [sflag:s13], $0x2710  }
0x18: {  	[sflag:s13] =	ssyncset.done $0x0  }
0x19: {  	s23 =	simm.s32 $0x0;
	[sflag:s13] =	ssyncadd.s32 $0xFFFFD8F0  }
.LBB2_2:
0x1a: {  	s24 =	smul.u32 $0x7D00, s23;
	_ =	sdelay $0x1  }
0x1b: {  	s25 =	sadd.s32 s3, s24  }
0x1c: {  	s26 =	sadd.s32 s7, s25  }
0x1d: {  	s25 =	sshrl.u32 s25, $0x3;
	s26 =	sshrl.u32 s26, $0x3  }
0x1e: {  	s24 =	sadd.s32 s24, s8;
	s25 =	sadd.s32 s2, s25;
	s26 =	sadd.s32 s5, s26  }
0x1f: {  	[tilespmem:s16], [sflag:$0x1] =	stream.linear.gather [hbm4b:s26+s4], $0x3E80, $0x38;
	[tilespmem:$0x16F30] =	vst v63  }
0x20: {  	s30 =	sadd.s32 s7, s24;
	s25 =	sadd.s32 $0x9C40, s25  }
0x21: {  	[tilespmem:s17], [sflag:$0x1] =	stream.linear.gather [hbm4b:s25+s4], $0x3E80, $0x38;
	[tilespmem:$0x16F30] =	vst v63  }
0x22: {  	s24 =	sshrl.u32 s24, $0x3;
	s25 =	sshrl.u32 s30, $0x3  }
0x23: {  	s24 =	sadd.s32 s2, s24;
	s25 =	sadd.s32 s5, s25  }
0x24: {  	[tilespmem:s18], [sflag:$0x2] =	stream.linear.gather [hbm4b:s25+s4], $0x3E80, $0x38;
	[tilespmem:$0x16F30] =	vst v63  }
0x25: {  	s24 =	sadd.s32 $0x9C40, s24  }
0x26: {  	[tilespmem:s19], [sflag:$0x2] =	stream.linear.gather [hbm4b:s24+s4], $0x3E80, $0x38;
	[tilespmem:$0x16F30] =	vst v63  }
0x27: {  	_ =	swait.ge [sflag:s20], $0x3E80  }
0x28: {  	[sflag:s20] =	ssyncset.done $0x0  }
0x29: {  	[sflag:s20] =	ssyncadd.s32 $0xFFFFC180  }
0x2a: {  	_ =	swait.ge [sflag:s20], $0x3E80  }
0x2b: {  	[sflag:s20] =	ssyncset.done $0x0  }
0x2c: {  	s31 =	simm.s32 $0xF270;
	[sflag:s20] =	ssyncadd.s32 $0xFFFFC180  }
0x2d: {  	v1 =	vld [tilespmem:s31+$0x20]  }
0x2e: {  	v2 =	vld [tilespmem:s31+$0xFFFFFFE0]  }
0x2f: {  	s24 =	simm.s32 $0x7570;
	v3 =	vld [tilespmem:s31+$0x0]  }
0x30: {  	v4 =	vld [tilespmem:s24+$0x20]  }
0x31: {  	v5 =	vld [tilespmem:s31+$0xFFFFFFC0]  }
0x32: {  	v7 =	vld [tilespmem:s24+$0xFFFFFFE0];
	_ =	sdelay $0x1  }
0x33: {  	v6 =	vld [tilespmem:s24+$0xFFFFFFC0]  }
0x34: {  	v8 =	vld [tilespmem:s24+$0x0]  }
0x35: {  	[tilespmem:v1+s4+$0x0] =	vst.idx.add.f32.msk $0xffff, v4  }
0x36: {  	[tilespmem:v2+s4+$0x0] =	vst.idx.add.f32.msk $0xffff, v7  }
0x37: {  	v4 =	vld [tilespmem:s31+$0x30]  }
0x38: {  	[tilespmem:v5+s4+$0x0] =	vst.idx.add.f32.msk $0xffff, v6  }
0x39: {  	[tilespmem:v3+s4+$0x0] =	vst.idx.add.f32.msk $0xffff, v8  }
0x3a: {  	v2 =	vld [tilespmem:s24+$0x30]  }
0x3b: {  	v3 =	vld [tilespmem:s31+$0xFFFFFFD0]  }
0x3c: {  	v1 =	vld [tilespmem:s31+$0xFFFFFFF0]  }
0x3d: {  	v6 =	vld [tilespmem:s24+$0xFFFFFFF0]  }
0x3e: {  	v5 =	vld [tilespmem:s24+$0x10]  }
0x3f: {  	[tilespmem:v4+s14+$0x0] =	vst.idx.add.f32.msk $0xffff, v2  }
0x40: {  	v2 =	vld [tilespmem:s31+$0x10]  }
0x41: {  	s26 =	simm.s32 $0xF2F0;
	s25 =	simm.s32 $0x0;
	v4 =	vld [tilespmem:s24+$0xFFFFFFD0]  }
.LBB2_3:
0x42: {  	v7 =	vld [tilespmem:s26+$0x20];
	s25 =	sadd.s32 $0x4, s25  }
0x43: {  	v8 =	vld [tilespmem:s26+$0xFFFFFFE0];
	p0 =	slt.u32 s25, $0x1F0;
	v9 =	vmov v6  }
0x44: {  	s24 =	sadd.s32 $0x80, s24;
	v6 =	vld [tilespmem:s26+$0x0];
	v10 =	vmov v5  }
0x45: {  	v5 =	vld [tilespmem:s24+$0x20]  }
0x46: {  	v11 =	vld [tilespmem:s26+$0xFFFFFFC0]  }
0x47: {  	v12 =	vld [tilespmem:s24+$0xFFFFFFC0]  }
0x48: {  	v13 =	vld [tilespmem:s24+$0xFFFFFFE0]  }
0x49: {  	v14 =	vld [tilespmem:s24+$0x0]  }
0x4a: {  	[tilespmem:v7+s4+$0x0] =	vst.idx.add.f32.msk $0xffff, v5  }
0x4b: {  	v5 =	vld [tilespmem:s26+$0x30]  }
0x4c: {  	[tilespmem:v3+s14+$0x0] =	vst.idx.add.f32.msk $0xffff, v4  }
0x4d: {  	[tilespmem:v8+s4+$0x0] =	vst.idx.add.f32.msk $0xffff, v13  }
0x4e: {  	v4 =	vld [tilespmem:s24+$0x30]  }
0x4f: {  	[tilespmem:v11+s4+$0x0] =	vst.idx.add.f32.msk $0xffff, v12  }
0x50: {  	[tilespmem:v6+s4+$0x0] =	vst.idx.add.f32.msk $0xffff, v14  }
0x51: {  	v3 =	vld [tilespmem:s26+$0xFFFFFFD0]  }
0x52: {  	v7 =	vld [tilespmem:s26+$0xFFFFFFF0]  }
0x53: {  	[tilespmem:v5+s14+$0x0] =	vst.idx.add.f32.msk $0xffff, v4  }
0x54: {  	v8 =	vld [tilespmem:s26+$0x10]  }
.Ltmp0:
0x55: {  	v4 =	vld [tilespmem:s24+$0xFFFFFFD0];
	(pc) =	sbr.rel @p0 .LBB2_3-.Ltmp0, $4  }
0x56: {  	v6 =	vld [tilespmem:s24+$0xFFFFFFF0]  }
0x57: {  	v5 =	vld [tilespmem:s24+$0x10]  }
0x58: {  	[tilespmem:v1+s14+$0x0] =	vst.idx.add.f32.msk $0xffff, v9;
	v1 =	vmov v7  }
0x59: {  	s26 =	sadd.s32 $0x80, s26;
	[tilespmem:v2+s14+$0x0] =	vst.idx.add.f32.msk $0xffff, v10;
	v2 =	vmov v8  }
0x5a: {  	_ =	sdelay $0x3  }
0x5b: {  	[tilespmem:v3+s14+$0x0] =	vst.idx.add.f32.msk $0xffff, v4  }
0x5c: {  	[tilespmem:v1+s14+$0x0] =	vst.idx.add.f32.msk $0xffff, v6  }
0x5d: {  	[tilespmem:v2+s14+$0x0] =	vst.idx.add.f32.msk $0xffff, v5  }
0x5e: {  	_ =	swait.ge [sflag:s21], $0x3E80  }
0x5f: {  	[sflag:s21] =	ssyncset.done $0x0  }
0x60: {  	[sflag:s21] =	ssyncadd.s32 $0xFFFFC180  }
0x61: {  	_ =	swait.ge [sflag:s21], $0x3E80  }
0x62: {  	[sflag:s21] =	ssyncset.done $0x0  }
0x63: {  	s25 =	simm.s32 $0x130F0;
	[sflag:s21] =	ssyncadd.s32 $0xFFFFC180  }
0x64: {  	v1 =	vld [tilespmem:s25+$0x20]  }
0x65: {  	v2 =	vld [tilespmem:s25+$0xFFFFFFE0]  }
0x66: {  	s24 =	simm.s32 $0xB3F0;
	v3 =	vld [tilespmem:s25+$0x0]  }
0x67: {  	v4 =	vld [tilespmem:s24+$0x20]  }
0x68: {  	v5 =	vld [tilespmem:s25+$0xFFFFFFC0]  }
0x69: {  	v7 =	vld [tilespmem:s24+$0xFFFFFFE0];
	_ =	sdelay $0x1  }
0x6a: {  	v6 =	vld [tilespmem:s24+$0xFFFFFFC0]  }
0x6b: {  	v8 =	vld [tilespmem:s24+$0x0]  }
0x6c: {  	[tilespmem:v1+s4+$0x0] =	vst.idx.add.f32.msk $0xffff, v4  }
0x6d: {  	[tilespmem:v2+s4+$0x0] =	vst.idx.add.f32.msk $0xffff, v7  }
0x6e: {  	v4 =	vld [tilespmem:s25+$0x30]  }
0x6f: {  	[tilespmem:v5+s4+$0x0] =	vst.idx.add.f32.msk $0xffff, v6  }
0x70: {  	[tilespmem:v3+s4+$0x0] =	vst.idx.add.f32.msk $0xffff, v8  }
0x71: {  	v2 =	vld [tilespmem:s24+$0x30]  }
0x72: {  	v3 =	vld [tilespmem:s25+$0xFFFFFFD0]  }
0x73: {  	v1 =	vld [tilespmem:s25+$0xFFFFFFF0]  }
0x74: {  	v6 =	vld [tilespmem:s24+$0xFFFFFFF0]  }
0x75: {  	v5 =	vld [tilespmem:s24+$0x10]  }
0x76: {  	[tilespmem:v4+s14+$0x0] =	vst.idx.add.f32.msk $0xffff, v2  }
0x77: {  	v2 =	vld [tilespmem:s25+$0x10]  }
0x78: {  	s26 =	simm.s32 $0x13170;
	v4 =	vld [tilespmem:s24+$0xFFFFFFD0];
	s25 =	simm.s32 $0x0  }
.LBB2_5:
0x79: {  	v7 =	vld [tilespmem:s26+$0x20];
	s25 =	sadd.s32 $0x4, s25  }
0x7a: {  	v8 =	vld [tilespmem:s26+$0xFFFFFFE0];
	p0 =	slt.u32 s25, $0x1F0;
	v9 =	vmov v6  }
0x7b: {  	s24 =	sadd.s32 $0x80, s24;
	v6 =	vld [tilespmem:s26+$0x0];
	v10 =	vmov v5  }
0x7c: {  	v5 =	vld [tilespmem:s24+$0x20]  }
0x7d: {  	v11 =	vld [tilespmem:s26+$0xFFFFFFC0]  }
0x7e: {  	v12 =	vld [tilespmem:s24+$0xFFFFFFC0]  }
0x7f: {  	v13 =	vld [tilespmem:s24+$0xFFFFFFE0]  }
0x80: {  	v14 =	vld [tilespmem:s24+$0x0]  }
0x81: {  	[tilespmem:v7+s4+$0x0] =	vst.idx.add.f32.msk $0xffff, v5  }
0x82: {  	v5 =	vld [tilespmem:s26+$0x30]  }
0x83: {  	[tilespmem:v3+s14+$0x0] =	vst.idx.add.f32.msk $0xffff, v4  }
0x84: {  	[tilespmem:v8+s4+$0x0] =	vst.idx.add.f32.msk $0xffff, v13  }
0x85: {  	v4 =	vld [tilespmem:s24+$0x30]  }
0x86: {  	[tilespmem:v11+s4+$0x0] =	vst.idx.add.f32.msk $0xffff, v12  }
0x87: {  	[tilespmem:v6+s4+$0x0] =	vst.idx.add.f32.msk $0xffff, v14  }
0x88: {  	v3 =	vld [tilespmem:s26+$0xFFFFFFD0]  }
0x89: {  	v7 =	vld [tilespmem:s26+$0xFFFFFFF0]  }
0x8a: {  	[tilespmem:v5+s14+$0x0] =	vst.idx.add.f32.msk $0xffff, v4  }
0x8b: {  	v8 =	vld [tilespmem:s26+$0x10]  }
.Ltmp1:
0x8c: {  	v4 =	vld [tilespmem:s24+$0xFFFFFFD0];
	(pc) =	sbr.rel @p0 .LBB2_5-.Ltmp1, $4  }
0x8d: {  	v6 =	vld [tilespmem:s24+$0xFFFFFFF0]  }
0x8e: {  	v5 =	vld [tilespmem:s24+$0x10]  }
0x8f: {  	[tilespmem:v1+s14+$0x0] =	vst.idx.add.f32.msk $0xffff, v9;
	v1 =	vmov v7  }
0x90: {  	s26 =	sadd.s32 $0x80, s26;
	[tilespmem:v2+s14+$0x0] =	vst.idx.add.f32.msk $0xffff, v10;
	v2 =	vmov v8  }
0x91: {  	s23 =	sadd.s32 $0x1, s23  }
0x92: {  	p0 =	sne.s32 s23, $0x5  }
.Ltmp2:
0x93: {  	_ = 	snop;
	(pc) =	sbr.rel @p0 .LBB2_2-.Ltmp2, $4  }
0x94: {  	_ = 	snop  }
0x95: {  	[tilespmem:v3+s14+$0x0] =	vst.idx.add.f32.msk $0xffff, v4  }
0x96: {  	[tilespmem:v1+s14+$0x0] =	vst.idx.add.f32.msk $0xffff, v6  }
0x97: {  	[tilespmem:v2+s14+$0x0] =	vst.idx.add.f32.msk $0xffff, v5  }
0x98: {  	s23 =	simm.s32 $0x0  }
0x99: {  	[tilespmem:s17], [sflag:$0x1] =	stream.linear.gather [hbm4b:s9+s23], $0x2710, $0x38;
	[tilespmem:$0x16F30] =	vst v63  }
0x9a: {  	_ =	swait.ge [sflag:s20], $0x2710  }
0x9b: {  	[sflag:s20] =	ssyncset.done $0x0  }
0x9c: {  	s24 =	simm.s32 $0x0;
	s23 =	simm.s32 $0x40;
	[sflag:s20] =	ssyncadd.s32 $0xFFFFD8F0  }
.LBB2_8:
0x9d: {  	p0 =	sne.s32 s23, $0x9C00;
	v1 =	vld [tilespmem:s24+$0xF230];
	_ =	sdelay $0x3  }
.Ltmp3:
0x9e: {  	(pc) =	sbr.rel @p0 .LBB2_8-.Ltmp3, $2  }
0x9f: {  	_ =	sdelay $0x2  }
0xa0: {  	s24 =	sshra.s32 s23, $0x2;
	s23 =	sadd.s32 $0x40, s23;
	[tilespmem:v1+s15+$0x0] =	vst.idx.add.f32.msk $0xffff, v0  }
0xa1: {  	v1 =	vld [tilespmem:s24+$0xF230];
	_ =	sdelay $0x7  }
0xa2: {  	s23 =	simm.s32 $0x0;
	[tilespmem:v1+s15+$0x0] =	vst.idx.add.f32.msk $0xffff, v0  }
0xa3: {  	v1 =	vld [tilespmem:s23+$0x0]  }
0xa4: {  	s24 =	simm.s32 $0x40;
	v2 =	vld [tilespmem:s23+$0x2710]  }
.LBB2_10:
0xa5: {  	_ = 	snop  }
0xa6: {  	p0 =	sne.s32 s24, $0x9C00  }
.Ltmp4:
0xa7: {  	_ = 	snop;
	(pc) =	sbr.rel @p0 .LBB2_10-.Ltmp4, $4  }
0xa8: {  	_ = 	snop  }
0xa9: {  	s25 =	sshra.s32 s24, $0x2;
	v3 =	vadd.f32 v2, v1  }
0xaa: {  	v1 =	vld [tilespmem:s25+$0x0]  }
0xab: {  	s24 =	sadd.s32 $0x40, s24;
	v2 =	vld [tilespmem:s25+$0x2710];
	[tilespmem:s23+$0x0] =	vst v3;
	s23 =	smov.u32 s25  }
0xac: {  	_ =	sdelay $0x3  }
0xad: {  	v1 =	vadd.f32 v2, v1;
	_ =	sdelay $0x1  }
0xae: {  	[tilespmem:s23+$0x0] =	vst v1  }
0xaf: {  	[hbm4b:s10+s4] =	stream.linear.scatter [tilespmem:s4], [sflag:$0x3], $0x2710, $0x38;
	[tilespmem:$0x16F30] =	vst v63  }
0xb0: {  	s22 =	sadd.s32 $0x1, s22;
	_ =	swait.ge [sflag:s13], $0x2710  }
0xb1: {  	p0 =	sne.s32 s22, s12;
	[sflag:s13] =	ssyncset.done $0x0  }
.Ltmp5:
0xb2: {  	[sflag:s13] =	ssyncadd.s32 $0xFFFFD8F0;
	(pc) =	sbr.rel @p0 .LBB2_1-.Ltmp5, $4  }
0xb3: {  	[hbm4b:s11+s4] =	stream.linear.scatter [tilespmem:s15], [sflag:$0x3], $0x2710, $0x38;
	[tilespmem:$0x16F30] =	vst v63  }
0xb4: {  	_ =	swait.ge [sflag:s13], $0x2710  }
0xb5: {  	[sflag:s13] =	ssyncset.done $0x0  }
0xb6: {  	[sflag:s13] =	ssyncadd.s32 $0xFFFFD8F0  }
0xb7: {  	_ =	sfence.sel $0x180000  }
0xb8: {  	[bflag:$0x0] =	sbarrier.arrive $0xFFFF  }
0xb9: {  	p0 =	sne.s32 s1, $0x0;
	_ =	strace $0x90000047  }
0xba: {  	s0 =	sadd.s32 @!p0 $0x100000, s0;
	[bflag:$0x2] =	sbarrier.arrive $0xFFFF  }
0xbb: {  	[sflag:s0] =	ssyncadd.tile.s32 @!p0 $0x1;
	_ =	shalt  }
.Lfunc_end2:
_tile_overlayer_lowered:
.L_overlay_start_2:
0xbc: {  	(tag) =	ssettag $0x2  }
0xbd: {  	s0 =	rddreg [dreg:$0x0];
	s2 =	stileid.u32  }
0xbe: {  	s1 =	rddreg [dreg:$0x1];
	p0 =	sne.s32 s2, $0x0  }
0xbf: {  	s3 =	rddreg [dreg:$0x2];
	[bflag:$0x3] =	sbarrier.arrive $0xFFFF;
	s2 =	simm.s32 @!p0 $0x1C03  }
0xc0: {  	[timem:s3], [sflag:s2] =	dma.local @!p0 [hbm:s0], s1  }
0xc1: {  	s0 =	simm.s32 @!p0 $0x3  }
0xc2: {  	_ =	swait.ge @!p0 [sflag:s0], s1  }
0xc3: {  	s1 =	ssub.s32 @!p0 $0x0, s1;
	[sflag:s0] =	ssyncset.done @!p0 $0x0  }
0xc4: {  	[sflag:s0] =	ssyncadd.s32 @!p0 s1  }
0xc5: {  	[bflag:$0x3] =	sbarrier.arrive $0xFFFF  }
0xc6: {  	_ =	shalt  }

</sc_bundles>
